<compile_context>
chip_gen: v7x
topology: tpu7x:2x2x1
jax: 0.10.2.dev20260603
libtpu: 0.0.44.dev20260713+nightly
codegen_flags: <defaults>
</compile_context>

<pallas_src>
import functools

import jax
import jax.numpy as jnp
from jax import lax
from jax.experimental import pallas as pl
from jax.experimental.pallas import tpu as pltpu
from jax.experimental.pallas import tpu_sc as plsc

IN_CH = 256
OUT_CH = 256
N_NODES = 10000
N_EDGES = 160000

NUM_SC = 2
NUM_TILES = 16
FH = IN_CH // NUM_SC
CA = 144
ROWS_SH = 10112
ZROWS = ROWS_SH // NUM_TILES
CHUNK = 128
E_PAD = 163840
N_CHUNKS = E_PAD // (NUM_TILES * CHUNK)
SB = 4
N_SUPER = N_CHUNKS // SB

_mesh = plsc.VectorSubcoreMesh(core_axis_name="c", subcore_axis_name="s")


@functools.partial(
    pl.kernel,
    out_type=jax.ShapeDtypeStruct((NUM_SC, ROWS_SH, CA), jnp.float32),
    mesh=_mesh,
    scratch_types=[
        pltpu.VMEM((SB, CHUNK), jnp.int32),
        pltpu.VMEM((SB, CHUNK), jnp.int32),
        pltpu.VMEM((CHUNK, CA), jnp.float32),
        pltpu.VMEM((CHUNK, CA), jnp.float32),
        pltpu.VMEM_SHARED((ROWS_SH, CA), jnp.float32),
        pltpu.SemaphoreType.DMA,
        pltpu.SemaphoreType.DMA,
        pltpu.SemaphoreType.DMA,
        pltpu.SemaphoreType.DMA,
    ],
    compiler_params=pltpu.CompilerParams(use_tc_tiling_on_sc=False),
)
def _sc_aggregate(xa_hbm, src_hbm, dst_hbm, zeros_hbm, out_hbm,
                  src_v, dst_v, rows0, rows1, agg_sh,
                  semg0, semg1, sems0, sems1):
    cid = lax.axis_index("c")
    sid = lax.axis_index("s")
    rows = (rows0, rows1)
    semg = (semg0, semg1)
    sems = (sems0, sems1)

    pltpu.sync_copy(zeros_hbm, agg_sh.at[pl.ds(sid * ZROWS, ZROWS)])
    plsc.subcore_barrier()

    def super_body(s, _):
        pltpu.sync_copy(src_hbm.at[sid, pl.ds(s * SB, SB)], src_v)
        pltpu.sync_copy(dst_hbm.at[sid, pl.ds(s * SB, SB)], dst_v)
        gd = {}
        sd = {}

        def gather(j, buf, sem):
            return pltpu.async_copy(
                xa_hbm.at[cid].at[src_v.at[j]], buf, sem)

        gd[0] = gather(0, rows[0], semg[0])
        for j in range(SB):
            b = j & 1
            if j + 1 < SB:
                if j >= 1:
                    sd[j - 1].wait()
                gd[j + 1] = gather(j + 1, rows[1 - b], semg[1 - b])
            gd[j].wait()
            sd[j] = pltpu.async_copy(
                rows[b], agg_sh.at[dst_v.at[j]], sems[b], add=True)
        sd[SB - 2].wait()
        sd[SB - 1].wait()
        return 0

    lax.fori_loop(0, N_SUPER, super_body, 0)
    plsc.subcore_barrier()

    pltpu.sync_copy(agg_sh.at[pl.ds(sid * ZROWS, ZROWS)],
                    out_hbm.at[cid, pl.ds(sid * ZROWS, ZROWS)])


_BR = 400


def _tc_body(x_ref, s_ref, c_ref, w1_ref, w2_ref, b1_ref, b2_ref, o_ref):
    c = c_ref[...]
    inv = 1.0 / jnp.maximum(c, 1.0)
    mean = s_ref[...] * inv
    acc = jnp.dot(x_ref[...], w1_ref[...], preferred_element_type=jnp.float32)
    acc = acc + jnp.dot(mean, w2_ref[...], preferred_element_type=jnp.float32)
    acc = acc + b1_ref[...]
    acc = acc + jnp.where(c > 0.0, 1.0, 0.0) * b2_ref[...]
    o_ref[...] = acc


def _tc_combine(x, sums, cnt, W1, W2, b1, b2):
    return pl.pallas_call(
        _tc_body,
        grid=(N_NODES // _BR,),
        in_specs=[
            pl.BlockSpec((_BR, IN_CH), lambda i: (i, 0)),
            pl.BlockSpec((_BR, IN_CH), lambda i: (i, 0)),
            pl.BlockSpec((_BR, 1), lambda i: (i, 0)),
            pl.BlockSpec((IN_CH, OUT_CH), lambda i: (0, 0)),
            pl.BlockSpec((IN_CH, OUT_CH), lambda i: (0, 0)),
            pl.BlockSpec((1, OUT_CH), lambda i: (0, 0)),
            pl.BlockSpec((1, OUT_CH), lambda i: (0, 0)),
        ],
        out_specs=pl.BlockSpec((_BR, OUT_CH), lambda i: (i, 0)),
        out_shape=jax.ShapeDtypeStruct((N_NODES, OUT_CH), jnp.float32),
    )(x, sums, cnt, W1, W2, b1, b2)


def kernel(x, edge_index, W1, b1, W2, b2):
    src = edge_index[0].astype(jnp.int32)
    dst = edge_index[1].astype(jnp.int32)
    src_p = jnp.pad(src, (0, E_PAD - N_EDGES)).reshape(NUM_TILES, N_CHUNKS, CHUNK)
    dst_p = jnp.pad(dst, (0, E_PAD - N_EDGES),
                    constant_values=N_NODES).reshape(NUM_TILES, N_CHUNKS, CHUNK)
    ones = jnp.ones((N_NODES, 1), jnp.float32)
    zpad = jnp.zeros((N_NODES, CA - FH - 1), jnp.float32)
    xa = jnp.stack(
        [jnp.concatenate([x[:, :FH], ones, zpad], axis=1),
         jnp.concatenate([x[:, FH:], ones, zpad], axis=1)])
    zeros = jnp.zeros((ZROWS, CA), jnp.float32)

    agg = _sc_aggregate(xa, src_p, dst_p, zeros)
    sums = jnp.concatenate(
        [agg[0, :N_NODES, :FH], agg[1, :N_NODES, :FH]], axis=1)
    cnt = agg[0, :N_NODES, FH].reshape(N_NODES, 1)

    return _tc_combine(x, sums, cnt, W1, W2,
                       b1.reshape(1, OUT_CH), b2.reshape(1, OUT_CH))

# --- scband reference (transcript-rebuilt; emitter-appended) ---
"""Pipeline reference for scband-sageconv-14929306321142 (READ-ONLY COPY).

The authoritative reference and input builder live on the scoring server;
editing this copy changes nothing except your own understanding.
"""

import jax, jax.numpy as jnp
import numpy as np

IN_CH = 256
OUT_CH = 256
N_NODES = 10000
N_EDGES = 160000


def setup_inputs(seed: int = 0) -> dict:
    key = jax.random.key(seed)
    k_x, k_e, k_w1, k_b1, k_w2, k_b2 = jax.random.split(key, 6)
    x = jax.random.normal(k_x, (N_NODES, IN_CH), dtype=jnp.float32)
    edge_index = jax.random.randint(k_e, (2, N_EDGES), 0, N_NODES, dtype=jnp.int64)
    # glorot init for the two linear layers (stored as [in, out])
    scale = jnp.sqrt(6.0 / (IN_CH + OUT_CH))
    W1 = jax.random.uniform(k_w1, (IN_CH, OUT_CH), minval=-scale, maxval=scale, dtype=jnp.float32)
    b1 = jnp.zeros((OUT_CH,), dtype=jnp.float32)
    W2 = jax.random.uniform(k_w2, (IN_CH, OUT_CH), minval=-scale, maxval=scale, dtype=jnp.float32)
    b2 = jnp.zeros((OUT_CH,), dtype=jnp.float32)
    return {"x": x, "edge_index": edge_index, "W1": W1, "b1": b1, "W2": W2, "b2": b2}


def reference(x, edge_index, W1, b1, W2, b2):
    # self transform: wh_1 = Linear1(x)
    wh_1 = x @ W1 + b1
    # gather source node features along edges
    x_j = jnp.take(x, edge_index[0], axis=0)
    # transform gathered neighbor features
    wh_2 = x_j @ W2 + b2
    # scatter-mean by destination node (edge_index[1])
    n = x.shape[0]
    summed = jax.ops.segment_sum(wh_2, edge_index[1], num_segments=n)
    counts = jax.ops.segment_sum(jnp.ones((edge_index.shape[1],), dtype=jnp.float32), edge_index[1], num_segments=n)
    mean = summed / jnp.clip(counts, 1.0, None)[:, None]
    return wh_1 + mean

if __name__ == "__main__":
    import jax
    _d = setup_inputs()
    print(jax.jit(kernel)(*tuple(_d.values())))

</pallas_src>

<mosaic_0001>
#map = affine_map<(d0, d1) -> (0, 0, 0)>
#map1 = affine_map<(d0, d1) -> (0, 0)>
module attributes {stable_mosaic.version = 14 : i64} {
  func.func @_sc_aggregate(%arg0: i32, %arg1: i32, %arg2: memref<2x10000x144xf32, #tpu.memory_space<hbm>>, %arg3: memref<16x80x128xi32, #tpu.memory_space<hbm>>, %arg4: memref<16x80x128xi32, #tpu.memory_space<hbm>>, %arg5: memref<632x144xf32, #tpu.memory_space<hbm>>, %arg6: memref<2x10112x144xf32, #tpu.memory_space<hbm>>, %arg7: memref<4x128xi32, #tpu.memory_space<vmem>>, %arg8: memref<4x128xi32, #tpu.memory_space<vmem>>, %arg9: memref<128x144xf32, #tpu.memory_space<vmem>>, %arg10: memref<128x144xf32, #tpu.memory_space<vmem>>, %arg11: memref<10112x144xf32, #tpu.memory_space<vmem_shared>>, %arg12: memref<!tpu.dma_semaphore, #tpu.memory_space<semaphore_mem>>, %arg13: memref<!tpu.dma_semaphore, #tpu.memory_space<semaphore_mem>>, %arg14: memref<!tpu.dma_semaphore, #tpu.memory_space<semaphore_mem>>, %arg15: memref<!tpu.dma_semaphore, #tpu.memory_space<semaphore_mem>>) attributes {dimension_semantics = [#tpu.dimension_semantics<core_parallel>, #tpu.dimension_semantics<subcore_parallel>], iteration_bounds = array<i64: 2, 16>, scalar_prefetch = 0 : i64, scratch_operands = 9 : i64, tpu.core_type = #tpu.core_type<sc_vector_subcore>, window_params = [{transform_indices = #map}, {transform_indices = #map}, {transform_indices = #map}, {transform_indices = #map1}, {transform_indices = #map}]} {
    %mul3A = arith.constant 632 : i32
    %mul3A_0 = arith.muli %arg1, %mul3A : i32
    "tpu.region"() ({
      %run_scoped3A = tpu.sem_alloc : memref<!tpu.dma_semaphore, #tpu.memory_space<semaphore_mem>>
      %dma_start3A = arith.constant 0 : i32
      %dma_start3A_12 = tpu.memref_slice %arg11[%mul3A_0, %dma_start3A] : memref<10112x144xf32, #tpu.memory_space<vmem_shared>> -> memref<632x144xf32, #tpu.memory_space<vmem_shared>>
      tpu.enqueue_dma source(%arg5 : memref<632x144xf32, #tpu.memory_space<hbm>>) target(%dma_start3A_12 : memref<632x144xf32, #tpu.memory_space<vmem_shared>>) target_semaphore(%run_scoped3A : memref<!tpu.dma_semaphore, #tpu.memory_space<semaphore_mem>>)
      %dma_wait3A = arith.constant 0 : i32
      %dma_wait3A_13 = tpu.memref_slice %arg11[%mul3A_0, %dma_wait3A] : memref<10112x144xf32, #tpu.memory_space<vmem_shared>> -> memref<632x144xf32, #tpu.memory_space<vmem_shared>>
      tpu.wait_dma2 semaphore(%run_scoped3A : memref<!tpu.dma_semaphore, #tpu.memory_space<semaphore_mem>>) src(%arg5 : memref<632x144xf32, #tpu.memory_space<hbm>>) dst(%dma_wait3A_13 : memref<632x144xf32, #tpu.memory_space<vmem_shared>>)
      tpu.yield
    }) : () -> ()
    %barrier3A = arith.constant 0 : index
    tpu.barrier barrier_id(%barrier3A)
    %scan3A = arith.constant 0 : i32
    %scan3A_1 = arith.constant 0 : i32
    %scan3A_2 = arith.constant 20 : i32
    %scan3A_3 = arith.addi %scan3A_1, %scan3A_2 : i32
    %scan3A_4 = arith.constant 1 : i32
    %scan3A_5 = scf.for %scan3A_12 = %scan3A_1 to %scan3A_3 step %scan3A_4 iter_args(%scan3A_13 = %scan3A) -> (i32)  : i32 {
      %mul3A_14 = arith.constant 4 : i32
      %mul3A_15 = arith.muli %scan3A_12, %mul3A_14 : i32
      "tpu.region"() ({
        %run_scoped3A = tpu.sem_alloc : memref<!tpu.dma_semaphore, #tpu.memory_space<semaphore_mem>>
        %dma_start3A_161 = arith.constant 0 : i32
        %dma_start3A_162 = tpu.memref_slice %arg3[%arg1, %mul3A_15, %dma_start3A_161] : memref<16x80x128xi32, #tpu.memory_space<hbm>> -> memref<1x4x128xi32, #tpu.memory_space<hbm>>
        %dma_start3A_163 = tpu.memref_squeeze %dma_start3A_162 : memref<1x4x128xi32, #tpu.memory_space<hbm>> -> memref<4x128xi32, #tpu.memory_space<hbm>>
        %dma_start3A_164 = arith.constant 0 : i32
        %dma_start3A_165 = tpu.memref_slice %arg3[%arg1, %mul3A_15, %dma_start3A_164] : memref<16x80x128xi32, #tpu.memory_space<hbm>> -> memref<1x4x128xi32, #tpu.memory_space<hbm>>
        %dma_start3A_166 = tpu.memref_squeeze %dma_start3A_165 : memref<1x4x128xi32, #tpu.memory_space<hbm>> -> memref<4x128xi32, #tpu.memory_space<hbm>>
        tpu.enqueue_dma source(%dma_start3A_166 : memref<4x128xi32, #tpu.memory_space<hbm>>) target(%arg7 : memref<4x128xi32, #tpu.memory_space<vmem>>) target_semaphore(%run_scoped3A : memref<!tpu.dma_semaphore, #tpu.memory_space<semaphore_mem>>)
        %dma_wait3A_167 = arith.constant 0 : i32
        %dma_wait3A_168 = tpu.memref_slice %arg3[%arg1, %mul3A_15, %dma_wait3A_167] : memref<16x80x128xi32, #tpu.memory_space<hbm>> -> memref<1x4x128xi32, #tpu.memory_space<hbm>>
        %dma_wait3A_169 = tpu.memref_squeeze %dma_wait3A_168 : memref<1x4x128xi32, #tpu.memory_space<hbm>> -> memref<4x128xi32, #tpu.memory_space<hbm>>
        %dma_wait3A_170 = arith.constant 0 : i32
        %dma_wait3A_171 = tpu.memref_slice %arg3[%arg1, %mul3A_15, %dma_wait3A_170] : memref<16x80x128xi32, #tpu.memory_space<hbm>> -> memref<1x4x128xi32, #tpu.memory_space<hbm>>
        %dma_wait3A_172 = tpu.memref_squeeze %dma_wait3A_171 : memref<1x4x128xi32, #tpu.memory_space<hbm>> -> memref<4x128xi32, #tpu.memory_space<hbm>>
        tpu.wait_dma2 semaphore(%run_scoped3A : memref<!tpu.dma_semaphore, #tpu.memory_space<semaphore_mem>>) src(%dma_wait3A_172 : memref<4x128xi32, #tpu.memory_space<hbm>>) dst(%arg7 : memref<4x128xi32, #tpu.memory_space<vmem>>)
        tpu.yield
      }) : () -> ()
      %mul3A_16 = arith.constant 4 : i32
      %mul3A_17 = arith.muli %scan3A_12, %mul3A_16 : i32
      "tpu.region"() ({
        %run_scoped3A = tpu.sem_alloc : memref<!tpu.dma_semaphore, #tpu.memory_space<semaphore_mem>>
        %dma_start3A_161 = arith.constant 0 : i32
        %dma_start3A_162 = tpu.memref_slice %arg4[%arg1, %mul3A_17, %dma_start3A_161] : memref<16x80x128xi32, #tpu.memory_space<hbm>> -> memref<1x4x128xi32, #tpu.memory_space<hbm>>
        %dma_start3A_163 = tpu.memref_squeeze %dma_start3A_162 : memref<1x4x128xi32, #tpu.memory_space<hbm>> -> memref<4x128xi32, #tpu.memory_space<hbm>>
        %dma_start3A_164 = arith.constant 0 : i32
        %dma_start3A_165 = tpu.memref_slice %arg4[%arg1, %mul3A_17, %dma_start3A_164] : memref<16x80x128xi32, #tpu.memory_space<hbm>> -> memref<1x4x128xi32, #tpu.memory_space<hbm>>
        %dma_start3A_166 = tpu.memref_squeeze %dma_start3A_165 : memref<1x4x128xi32, #tpu.memory_space<hbm>> -> memref<4x128xi32, #tpu.memory_space<hbm>>
        tpu.enqueue_dma source(%dma_start3A_166 : memref<4x128xi32, #tpu.memory_space<hbm>>) target(%arg8 : memref<4x128xi32, #tpu.memory_space<vmem>>) target_semaphore(%run_scoped3A : memref<!tpu.dma_semaphore, #tpu.memory_space<semaphore_mem>>)
        %dma_wait3A_167 = arith.constant 0 : i32
        %dma_wait3A_168 = tpu.memref_slice %arg4[%arg1, %mul3A_17, %dma_wait3A_167] : memref<16x80x128xi32, #tpu.memory_space<hbm>> -> memref<1x4x128xi32, #tpu.memory_space<hbm>>
        %dma_wait3A_169 = tpu.memref_squeeze %dma_wait3A_168 : memref<1x4x128xi32, #tpu.memory_space<hbm>> -> memref<4x128xi32, #tpu.memory_space<hbm>>
        %dma_wait3A_170 = arith.constant 0 : i32
        %dma_wait3A_171 = tpu.memref_slice %arg4[%arg1, %mul3A_17, %dma_wait3A_170] : memref<16x80x128xi32, #tpu.memory_space<hbm>> -> memref<1x4x128xi32, #tpu.memory_space<hbm>>
        %dma_wait3A_172 = tpu.memref_squeeze %dma_wait3A_171 : memref<1x4x128xi32, #tpu.memory_space<hbm>> -> memref<4x128xi32, #tpu.memory_space<hbm>>
        tpu.wait_dma2 semaphore(%run_scoped3A : memref<!tpu.dma_semaphore, #tpu.memory_space<semaphore_mem>>) src(%dma_wait3A_172 : memref<4x128xi32, #tpu.memory_space<hbm>>) dst(%arg8 : memref<4x128xi32, #tpu.memory_space<vmem>>)
        tpu.yield
      }) : () -> ()
      %dma_start3A = arith.constant 0 : i32
      %dma_start3A_18 = arith.constant 0 : i32
      %dma_start3A_19 = tpu.memref_slice %arg7[%dma_start3A, %dma_start3A_18] : memref<4x128xi32, #tpu.memory_space<vmem>> -> memref<1x128xi32, #tpu.memory_space<vmem>>
      %dma_start3A_20 = tpu.memref_squeeze %dma_start3A_19 : memref<1x128xi32, #tpu.memory_space<vmem>> -> memref<128xi32, #tpu.memory_space<vmem>>
      %dma_start3A_21 = arith.constant 0 : i32
      %dma_start3A_22 = arith.constant 0 : i32
      %dma_start3A_23 = tpu.memref_slice %arg2[%arg0, %dma_start3A_21, %dma_start3A_22] : memref<2x10000x144xf32, #tpu.memory_space<hbm>> -> memref<1x10000x144xf32, #tpu.memory_space<hbm>>
      %dma_start3A_24 = tpu.memref_squeeze %dma_start3A_23 : memref<1x10000x144xf32, #tpu.memory_space<hbm>> -> memref<10000x144xf32, #tpu.memory_space<hbm>>
      %dma_start3A_25 = arith.constant 0 : i32
      %dma_start3A_26 = arith.constant 0 : i32
      %dma_start3A_27 = tpu.memref_slice %dma_start3A_24[%dma_start3A_25, %dma_start3A_26] : memref<10000x144xf32, #tpu.memory_space<hbm>> -> memref<10000x144xf32, #tpu.memory_space<hbm>>
      tpu.enqueue_indirect_dma source(%dma_start3A_27 : memref<10000x144xf32, #tpu.memory_space<hbm>>) target(%arg9 : memref<128x144xf32, #tpu.memory_space<vmem>>) offsets(%dma_start3A_20 : memref<128xi32, #tpu.memory_space<vmem>>) semaphore(%arg12 : memref<!tpu.dma_semaphore, #tpu.memory_space<semaphore_mem>>)
      %dma_start3A_28 = arith.constant 1 : i32
      %dma_start3A_29 = arith.constant 0 : i32
      %dma_start3A_30 = tpu.memref_slice %arg7[%dma_start3A_28, %dma_start3A_29] : memref<4x128xi32, #tpu.memory_space<vmem>> -> memref<1x128xi32, #tpu.memory_space<vmem>>
      %dma_start3A_31 = tpu.memref_squeeze %dma_start3A_30 : memref<1x128xi32, #tpu.memory_space<vmem>> -> memref<128xi32, #tpu.memory_space<vmem>>
      %dma_start3A_32 = arith.constant 0 : i32
      %dma_start3A_33 = arith.constant 0 : i32
      %dma_start3A_34 = tpu.memref_slice %arg2[%arg0, %dma_start3A_32, %dma_start3A_33] : memref<2x10000x144xf32, #tpu.memory_space<hbm>> -> memref<1x10000x144xf32, #tpu.memory_space<hbm>>
      %dma_start3A_35 = tpu.memref_squeeze %dma_start3A_34 : memref<1x10000x144xf32, #tpu.memory_space<hbm>> -> memref<10000x144xf32, #tpu.memory_space<hbm>>
      %dma_start3A_36 = arith.constant 0 : i32
      %dma_start3A_37 = arith.constant 0 : i32
      %dma_start3A_38 = tpu.memref_slice %dma_start3A_35[%dma_start3A_36, %dma_start3A_37] : memref<10000x144xf32, #tpu.memory_space<hbm>> -> memref<10000x144xf32, #tpu.memory_space<hbm>>
      tpu.enqueue_indirect_dma source(%dma_start3A_38 : memref<10000x144xf32, #tpu.memory_space<hbm>>) target(%arg10 : memref<128x144xf32, #tpu.memory_space<vmem>>) offsets(%dma_start3A_31 : memref<128xi32, #tpu.memory_space<vmem>>) semaphore(%arg13 : memref<!tpu.dma_semaphore, #tpu.memory_space<semaphore_mem>>)
      %dma_wait3A = arith.constant 0 : i32
      %dma_wait3A_39 = arith.constant 0 : i32
      %dma_wait3A_40 = tpu.memref_slice %arg7[%dma_wait3A, %dma_wait3A_39] : memref<4x128xi32, #tpu.memory_space<vmem>> -> memref<1x128xi32, #tpu.memory_space<vmem>>
      %dma_wait3A_41 = tpu.memref_squeeze %dma_wait3A_40 : memref<1x128xi32, #tpu.memory_space<vmem>> -> memref<128xi32, #tpu.memory_space<vmem>>
      %dma_wait3A_42 = arith.constant 0 : i32
      %dma_wait3A_43 = arith.constant 0 : i32
      %dma_wait3A_44 = tpu.memref_slice %arg2[%arg0, %dma_wait3A_42, %dma_wait3A_43] : memref<2x10000x144xf32, #tpu.memory_space<hbm>> -> memref<1x10000x144xf32, #tpu.memory_space<hbm>>
      %dma_wait3A_45 = tpu.memref_squeeze %dma_wait3A_44 : memref<1x10000x144xf32, #tpu.memory_space<hbm>> -> memref<10000x144xf32, #tpu.memory_space<hbm>>
      %dma_wait3A_46 = arith.constant 0 : i32
      %dma_wait3A_47 = arith.constant 0 : i32
      %dma_wait3A_48 = tpu.memref_slice %dma_wait3A_45[%dma_wait3A_46, %dma_wait3A_47] : memref<10000x144xf32, #tpu.memory_space<hbm>> -> memref<10000x144xf32, #tpu.memory_space<hbm>>
      tpu.wait_indirect_dma semaphore(%arg12 : memref<!tpu.dma_semaphore, #tpu.memory_space<semaphore_mem>>) src(%dma_wait3A_48 : memref<10000x144xf32, #tpu.memory_space<hbm>>) dst(%arg9 : memref<128x144xf32, #tpu.memory_space<vmem>>)
      %dma_start3A_49 = arith.constant 0 : i32
      %dma_start3A_50 = arith.constant 0 : i32
      %dma_start3A_51 = tpu.memref_slice %arg8[%dma_start3A_49, %dma_start3A_50] : memref<4x128xi32, #tpu.memory_space<vmem>> -> memref<1x128xi32, #tpu.memory_space<vmem>>
      %dma_start3A_52 = tpu.memref_squeeze %dma_start3A_51 : memref<1x128xi32, #tpu.memory_space<vmem>> -> memref<128xi32, #tpu.memory_space<vmem>>
      %dma_start3A_53 = arith.constant 0 : i32
      %dma_start3A_54 = arith.constant 0 : i32
      %dma_start3A_55 = tpu.memref_slice %arg11[%dma_start3A_53, %dma_start3A_54] : memref<10112x144xf32, #tpu.memory_space<vmem_shared>> -> memref<10112x144xf32, #tpu.memory_space<vmem_shared>>
      tpu.enqueue_indirect_dma source(%arg9 : memref<128x144xf32, #tpu.memory_space<vmem>>) target(%dma_start3A_55 : memref<10112x144xf32, #tpu.memory_space<vmem_shared>>) offsets(%dma_start3A_52 : memref<128xi32, #tpu.memory_space<vmem>>) semaphore(%arg14 : memref<!tpu.dma_semaphore, #tpu.memory_space<semaphore_mem>>) {add = true}
      %dma_wait3A_56 = arith.constant 0 : i32
      %dma_wait3A_57 = arith.constant 0 : i32
      %dma_wait3A_58 = tpu.memref_slice %arg8[%dma_wait3A_56, %dma_wait3A_57] : memref<4x128xi32, #tpu.memory_space<vmem>> -> memref<1x128xi32, #tpu.memory_space<vmem>>
      %dma_wait3A_59 = tpu.memref_squeeze %dma_wait3A_58 : memref<1x128xi32, #tpu.memory_space<vmem>> -> memref<128xi32, #tpu.memory_space<vmem>>
      %dma_wait3A_60 = arith.constant 0 : i32
      %dma_wait3A_61 = arith.constant 0 : i32
      %dma_wait3A_62 = tpu.memref_slice %arg11[%dma_wait3A_60, %dma_wait3A_61] : memref<10112x144xf32, #tpu.memory_space<vmem_shared>> -> memref<10112x144xf32, #tpu.memory_space<vmem_shared>>
      tpu.wait_indirect_dma semaphore(%arg14 : memref<!tpu.dma_semaphore, #tpu.memory_space<semaphore_mem>>) src(%arg9 : memref<128x144xf32, #tpu.memory_space<vmem>>) dst(%dma_wait3A_62 : memref<10112x144xf32, #tpu.memory_space<vmem_shared>>)
      %dma_start3A_63 = arith.constant 2 : i32
      %dma_start3A_64 = arith.constant 0 : i32
      %dma_start3A_65 = tpu.memref_slice %arg7[%dma_start3A_63, %dma_start3A_64] : memref<4x128xi32, #tpu.memory_space<vmem>> -> memref<1x128xi32, #tpu.memory_space<vmem>>
      %dma_start3A_66 = tpu.memref_squeeze %dma_start3A_65 : memref<1x128xi32, #tpu.memory_space<vmem>> -> memref<128xi32, #tpu.memory_space<vmem>>
      %dma_start3A_67 = arith.constant 0 : i32
      %dma_start3A_68 = arith.constant 0 : i32
      %dma_start3A_69 = tpu.memref_slice %arg2[%arg0, %dma_start3A_67, %dma_start3A_68] : memref<2x10000x144xf32, #tpu.memory_space<hbm>> -> memref<1x10000x144xf32, #tpu.memory_space<hbm>>
      %dma_start3A_70 = tpu.memref_squeeze %dma_start3A_69 : memref<1x10000x144xf32, #tpu.memory_space<hbm>> -> memref<10000x144xf32, #tpu.memory_space<hbm>>
      %dma_start3A_71 = arith.constant 0 : i32
      %dma_start3A_72 = arith.constant 0 : i32
      %dma_start3A_73 = tpu.memref_slice %dma_start3A_70[%dma_start3A_71, %dma_start3A_72] : memref<10000x144xf32, #tpu.memory_space<hbm>> -> memref<10000x144xf32, #tpu.memory_space<hbm>>
      tpu.enqueue_indirect_dma source(%dma_start3A_73 : memref<10000x144xf32, #tpu.memory_space<hbm>>) target(%arg9 : memref<128x144xf32, #tpu.memory_space<vmem>>) offsets(%dma_start3A_66 : memref<128xi32, #tpu.memory_space<vmem>>) semaphore(%arg12 : memref<!tpu.dma_semaphore, #tpu.memory_space<semaphore_mem>>)
      %dma_wait3A_74 = arith.constant 1 : i32
      %dma_wait3A_75 = arith.constant 0 : i32
      %dma_wait3A_76 = tpu.memref_slice %arg7[%dma_wait3A_74, %dma_wait3A_75] : memref<4x128xi32, #tpu.memory_space<vmem>> -> memref<1x128xi32, #tpu.memory_space<vmem>>
      %dma_wait3A_77 = tpu.memref_squeeze %dma_wait3A_76 : memref<1x128xi32, #tpu.memory_space<vmem>> -> memref<128xi32, #tpu.memory_space<vmem>>
      %dma_wait3A_78 = arith.constant 0 : i32
      %dma_wait3A_79 = arith.constant 0 : i32
      %dma_wait3A_80 = tpu.memref_slice %arg2[%arg0, %dma_wait3A_78, %dma_wait3A_79] : memref<2x10000x144xf32, #tpu.memory_space<hbm>> -> memref<1x10000x144xf32, #tpu.memory_space<hbm>>
      %dma_wait3A_81 = tpu.memref_squeeze %dma_wait3A_80 : memref<1x10000x144xf32, #tpu.memory_space<hbm>> -> memref<10000x144xf32, #tpu.memory_space<hbm>>
      %dma_wait3A_82 = arith.constant 0 : i32
      %dma_wait3A_83 = arith.constant 0 : i32
      %dma_wait3A_84 = tpu.memref_slice %dma_wait3A_81[%dma_wait3A_82, %dma_wait3A_83] : memref<10000x144xf32, #tpu.memory_space<hbm>> -> memref<10000x144xf32, #tpu.memory_space<hbm>>
      tpu.wait_indirect_dma semaphore(%arg13 : memref<!tpu.dma_semaphore, #tpu.memory_space<semaphore_mem>>) src(%dma_wait3A_84 : memref<10000x144xf32, #tpu.memory_space<hbm>>) dst(%arg10 : memref<128x144xf32, #tpu.memory_space<vmem>>)
      %dma_start3A_85 = arith.constant 1 : i32
      %dma_start3A_86 = arith.constant 0 : i32
      %dma_start3A_87 = tpu.memref_slice %arg8[%dma_start3A_85, %dma_start3A_86] : memref<4x128xi32, #tpu.memory_space<vmem>> -> memref<1x128xi32, #tpu.memory_space<vmem>>
      %dma_start3A_88 = tpu.memref_squeeze %dma_start3A_87 : memref<1x128xi32, #tpu.memory_space<vmem>> -> memref<128xi32, #tpu.memory_space<vmem>>
      %dma_start3A_89 = arith.constant 0 : i32
      %dma_start3A_90 = arith.constant 0 : i32
      %dma_start3A_91 = tpu.memref_slice %arg11[%dma_start3A_89, %dma_start3A_90] : memref<10112x144xf32, #tpu.memory_space<vmem_shared>> -> memref<10112x144xf32, #tpu.memory_space<vmem_shared>>
      tpu.enqueue_indirect_dma source(%arg10 : memref<128x144xf32, #tpu.memory_space<vmem>>) target(%dma_start3A_91 : memref<10112x144xf32, #tpu.memory_space<vmem_shared>>) offsets(%dma_start3A_88 : memref<128xi32, #tpu.memory_space<vmem>>) semaphore(%arg15 : memref<!tpu.dma_semaphore, #tpu.memory_space<semaphore_mem>>) {add = true}
      %dma_wait3A_92 = arith.constant 1 : i32
      %dma_wait3A_93 = arith.constant 0 : i32
      %dma_wait3A_94 = tpu.memref_slice %arg8[%dma_wait3A_92, %dma_wait3A_93] : memref<4x128xi32, #tpu.memory_space<vmem>> -> memref<1x128xi32, #tpu.memory_space<vmem>>
      %dma_wait3A_95 = tpu.memref_squeeze %dma_wait3A_94 : memref<1x128xi32, #tpu.memory_space<vmem>> -> memref<128xi32, #tpu.memory_space<vmem>>
      %dma_wait3A_96 = arith.constant 0 : i32
      %dma_wait3A_97 = arith.constant 0 : i32
      %dma_wait3A_98 = tpu.memref_slice %arg11[%dma_wait3A_96, %dma_wait3A_97] : memref<10112x144xf32, #tpu.memory_space<vmem_shared>> -> memref<10112x144xf32, #tpu.memory_space<vmem_shared>>
      tpu.wait_indirect_dma semaphore(%arg15 : memref<!tpu.dma_semaphore, #tpu.memory_space<semaphore_mem>>) src(%arg10 : memref<128x144xf32, #tpu.memory_space<vmem>>) dst(%dma_wait3A_98 : memref<10112x144xf32, #tpu.memory_space<vmem_shared>>)
      %dma_start3A_99 = arith.constant 3 : i32
      %dma_start3A_100 = arith.constant 0 : i32
      %dma_start3A_101 = tpu.memref_slice %arg7[%dma_start3A_99, %dma_start3A_100] : memref<4x128xi32, #tpu.memory_space<vmem>> -> memref<1x128xi32, #tpu.memory_space<vmem>>
      %dma_start3A_102 = tpu.memref_squeeze %dma_start3A_101 : memref<1x128xi32, #tpu.memory_space<vmem>> -> memref<128xi32, #tpu.memory_space<vmem>>
      %dma_start3A_103 = arith.constant 0 : i32
      %dma_start3A_104 = arith.constant 0 : i32
      %dma_start3A_105 = tpu.memref_slice %arg2[%arg0, %dma_start3A_103, %dma_start3A_104] : memref<2x10000x144xf32, #tpu.memory_space<hbm>> -> memref<1x10000x144xf32, #tpu.memory_space<hbm>>
      %dma_start3A_106 = tpu.memref_squeeze %dma_start3A_105 : memref<1x10000x144xf32, #tpu.memory_space<hbm>> -> memref<10000x144xf32, #tpu.memory_space<hbm>>
      %dma_start3A_107 = arith.constant 0 : i32
      %dma_start3A_108 = arith.constant 0 : i32
      %dma_start3A_109 = tpu.memref_slice %dma_start3A_106[%dma_start3A_107, %dma_start3A_108] : memref<10000x144xf32, #tpu.memory_space<hbm>> -> memref<10000x144xf32, #tpu.memory_space<hbm>>
      tpu.enqueue_indirect_dma source(%dma_start3A_109 : memref<10000x144xf32, #tpu.memory_space<hbm>>) target(%arg10 : memref<128x144xf32, #tpu.memory_space<vmem>>) offsets(%dma_start3A_102 : memref<128xi32, #tpu.memory_space<vmem>>) semaphore(%arg13 : memref<!tpu.dma_semaphore, #tpu.memory_space<semaphore_mem>>)
      %dma_wait3A_110 = arith.constant 2 : i32
      %dma_wait3A_111 = arith.constant 0 : i32
      %dma_wait3A_112 = tpu.memref_slice %arg7[%dma_wait3A_110, %dma_wait3A_111] : memref<4x128xi32, #tpu.memory_space<vmem>> -> memref<1x128xi32, #tpu.memory_space<vmem>>
      %dma_wait3A_113 = tpu.memref_squeeze %dma_wait3A_112 : memref<1x128xi32, #tpu.memory_space<vmem>> -> memref<128xi32, #tpu.memory_space<vmem>>
      %dma_wait3A_114 = arith.constant 0 : i32
      %dma_wait3A_115 = arith.constant 0 : i32
      %dma_wait3A_116 = tpu.memref_slice %arg2[%arg0, %dma_wait3A_114, %dma_wait3A_115] : memref<2x10000x144xf32, #tpu.memory_space<hbm>> -> memref<1x10000x144xf32, #tpu.memory_space<hbm>>
      %dma_wait3A_117 = tpu.memref_squeeze %dma_wait3A_116 : memref<1x10000x144xf32, #tpu.memory_space<hbm>> -> memref<10000x144xf32, #tpu.memory_space<hbm>>
      %dma_wait3A_118 = arith.constant 0 : i32
      %dma_wait3A_119 = arith.constant 0 : i32
      %dma_wait3A_120 = tpu.memref_slice %dma_wait3A_117[%dma_wait3A_118, %dma_wait3A_119] : memref<10000x144xf32, #tpu.memory_space<hbm>> -> memref<10000x144xf32, #tpu.memory_space<hbm>>
      tpu.wait_indirect_dma semaphore(%arg12 : memref<!tpu.dma_semaphore, #tpu.memory_space<semaphore_mem>>) src(%dma_wait3A_120 : memref<10000x144xf32, #tpu.memory_space<hbm>>) dst(%arg9 : memref<128x144xf32, #tpu.memory_space<vmem>>)
      %dma_start3A_121 = arith.constant 2 : i32
      %dma_start3A_122 = arith.constant 0 : i32
      %dma_start3A_123 = tpu.memref_slice %arg8[%dma_start3A_121, %dma_start3A_122] : memref<4x128xi32, #tpu.memory_space<vmem>> -> memref<1x128xi32, #tpu.memory_space<vmem>>
      %dma_start3A_124 = tpu.memref_squeeze %dma_start3A_123 : memref<1x128xi32, #tpu.memory_space<vmem>> -> memref<128xi32, #tpu.memory_space<vmem>>
      %dma_start3A_125 = arith.constant 0 : i32
      %dma_start3A_126 = arith.constant 0 : i32
      %dma_start3A_127 = tpu.memref_slice %arg11[%dma_start3A_125, %dma_start3A_126] : memref<10112x144xf32, #tpu.memory_space<vmem_shared>> -> memref<10112x144xf32, #tpu.memory_space<vmem_shared>>
      tpu.enqueue_indirect_dma source(%arg9 : memref<128x144xf32, #tpu.memory_space<vmem>>) target(%dma_start3A_127 : memref<10112x144xf32, #tpu.memory_space<vmem_shared>>) offsets(%dma_start3A_124 : memref<128xi32, #tpu.memory_space<vmem>>) semaphore(%arg14 : memref<!tpu.dma_semaphore, #tpu.memory_space<semaphore_mem>>) {add = true}
      %dma_wait3A_128 = arith.constant 3 : i32
      %dma_wait3A_129 = arith.constant 0 : i32
      %dma_wait3A_130 = tpu.memref_slice %arg7[%dma_wait3A_128, %dma_wait3A_129] : memref<4x128xi32, #tpu.memory_space<vmem>> -> memref<1x128xi32, #tpu.memory_space<vmem>>
      %dma_wait3A_131 = tpu.memref_squeeze %dma_wait3A_130 : memref<1x128xi32, #tpu.memory_space<vmem>> -> memref<128xi32, #tpu.memory_space<vmem>>
      %dma_wait3A_132 = arith.constant 0 : i32
      %dma_wait3A_133 = arith.constant 0 : i32
      %dma_wait3A_134 = tpu.memref_slice %arg2[%arg0, %dma_wait3A_132, %dma_wait3A_133] : memref<2x10000x144xf32, #tpu.memory_space<hbm>> -> memref<1x10000x144xf32, #tpu.memory_space<hbm>>
      %dma_wait3A_135 = tpu.memref_squeeze %dma_wait3A_134 : memref<1x10000x144xf32, #tpu.memory_space<hbm>> -> memref<10000x144xf32, #tpu.memory_space<hbm>>
      %dma_wait3A_136 = arith.constant 0 : i32
      %dma_wait3A_137 = arith.constant 0 : i32
      %dma_wait3A_138 = tpu.memref_slice %dma_wait3A_135[%dma_wait3A_136, %dma_wait3A_137] : memref<10000x144xf32, #tpu.memory_space<hbm>> -> memref<10000x144xf32, #tpu.memory_space<hbm>>
      tpu.wait_indirect_dma semaphore(%arg13 : memref<!tpu.dma_semaphore, #tpu.memory_space<semaphore_mem>>) src(%dma_wait3A_138 : memref<10000x144xf32, #tpu.memory_space<hbm>>) dst(%arg10 : memref<128x144xf32, #tpu.memory_space<vmem>>)
      %dma_start3A_139 = arith.constant 3 : i32
      %dma_start3A_140 = arith.constant 0 : i32
      %dma_start3A_141 = tpu.memref_slice %arg8[%dma_start3A_139, %dma_start3A_140] : memref<4x128xi32, #tpu.memory_space<vmem>> -> memref<1x128xi32, #tpu.memory_space<vmem>>
      %dma_start3A_142 = tpu.memref_squeeze %dma_start3A_141 : memref<1x128xi32, #tpu.memory_space<vmem>> -> memref<128xi32, #tpu.memory_space<vmem>>
      %dma_start3A_143 = arith.constant 0 : i32
      %dma_start3A_144 = arith.constant 0 : i32
      %dma_start3A_145 = tpu.memref_slice %arg11[%dma_start3A_143, %dma_start3A_144] : memref<10112x144xf32, #tpu.memory_space<vmem_shared>> -> memref<10112x144xf32, #tpu.memory_space<vmem_shared>>
      tpu.enqueue_indirect_dma source(%arg10 : memref<128x144xf32, #tpu.memory_space<vmem>>) target(%dma_start3A_145 : memref<10112x144xf32, #tpu.memory_space<vmem_shared>>) offsets(%dma_start3A_142 : memref<128xi32, #tpu.memory_space<vmem>>) semaphore(%arg15 : memref<!tpu.dma_semaphore, #tpu.memory_space<semaphore_mem>>) {add = true}
      %dma_wait3A_146 = arith.constant 2 : i32
      %dma_wait3A_147 = arith.constant 0 : i32
      %dma_wait3A_148 = tpu.memref_slice %arg8[%dma_wait3A_146, %dma_wait3A_147] : memref<4x128xi32, #tpu.memory_space<vmem>> -> memref<1x128xi32, #tpu.memory_space<vmem>>
      %dma_wait3A_149 = tpu.memref_squeeze %dma_wait3A_148 : memref<1x128xi32, #tpu.memory_space<vmem>> -> memref<128xi32, #tpu.memory_space<vmem>>
      %dma_wait3A_150 = arith.constant 0 : i32
      %dma_wait3A_151 = arith.constant 0 : i32
      %dma_wait3A_152 = tpu.memref_slice %arg11[%dma_wait3A_150, %dma_wait3A_151] : memref<10112x144xf32, #tpu.memory_space<vmem_shared>> -> memref<10112x144xf32, #tpu.memory_space<vmem_shared>>
      tpu.wait_indirect_dma semaphore(%arg14 : memref<!tpu.dma_semaphore, #tpu.memory_space<semaphore_mem>>) src(%arg9 : memref<128x144xf32, #tpu.memory_space<vmem>>) dst(%dma_wait3A_152 : memref<10112x144xf32, #tpu.memory_space<vmem_shared>>)
      %dma_wait3A_153 = arith.constant 3 : i32
      %dma_wait3A_154 = arith.constant 0 : i32
      %dma_wait3A_155 = tpu.memref_slice %arg8[%dma_wait3A_153, %dma_wait3A_154] : memref<4x128xi32, #tpu.memory_space<vmem>> -> memref<1x128xi32, #tpu.memory_space<vmem>>
      %dma_wait3A_156 = tpu.memref_squeeze %dma_wait3A_155 : memref<1x128xi32, #tpu.memory_space<vmem>> -> memref<128xi32, #tpu.memory_space<vmem>>
      %dma_wait3A_157 = arith.constant 0 : i32
      %dma_wait3A_158 = arith.constant 0 : i32
      %dma_wait3A_159 = tpu.memref_slice %arg11[%dma_wait3A_157, %dma_wait3A_158] : memref<10112x144xf32, #tpu.memory_space<vmem_shared>> -> memref<10112x144xf32, #tpu.memory_space<vmem_shared>>
      tpu.wait_indirect_dma semaphore(%arg15 : memref<!tpu.dma_semaphore, #tpu.memory_space<semaphore_mem>>) src(%arg10 : memref<128x144xf32, #tpu.memory_space<vmem>>) dst(%dma_wait3A_159 : memref<10112x144xf32, #tpu.memory_space<vmem_shared>>)
      %scan3A_160 = arith.constant 0 : i32
      scf.yield %scan3A_160 : i32
    }
    %scan3A_6 = arith.constant 20 : i32
    %barrier3A_7 = arith.constant 0 : index
    tpu.barrier barrier_id(%barrier3A_7)
    %mul3A_8 = arith.constant 632 : i32
    %mul3A_9 = arith.muli %arg1, %mul3A_8 : i32
    %mul3A_10 = arith.constant 632 : i32
    %mul3A_11 = arith.muli %arg1, %mul3A_10 : i32
    "tpu.region"() ({
      %run_scoped3A = tpu.sem_alloc : memref<!tpu.dma_semaphore, #tpu.memory_space<semaphore_mem>>
      %dma_start3A = arith.constant 0 : i32
      %dma_start3A_12 = tpu.memref_slice %arg6[%arg0, %mul3A_11, %dma_start3A] : memref<2x10112x144xf32, #tpu.memory_space<hbm>> -> memref<1x632x144xf32, #tpu.memory_space<hbm>>
      %dma_start3A_13 = tpu.memref_squeeze %dma_start3A_12 : memref<1x632x144xf32, #tpu.memory_space<hbm>> -> memref<632x144xf32, #tpu.memory_space<hbm>>
      %dma_start3A_14 = arith.constant 0 : i32
      %dma_start3A_15 = tpu.memref_slice %arg11[%mul3A_9, %dma_start3A_14] : memref<10112x144xf32, #tpu.memory_space<vmem_shared>> -> memref<632x144xf32, #tpu.memory_space<vmem_shared>>
      tpu.enqueue_dma source(%dma_start3A_15 : memref<632x144xf32, #tpu.memory_space<vmem_shared>>) target(%dma_start3A_13 : memref<632x144xf32, #tpu.memory_space<hbm>>) target_semaphore(%run_scoped3A : memref<!tpu.dma_semaphore, #tpu.memory_space<semaphore_mem>>)
      %dma_wait3A = arith.constant 0 : i32
      %dma_wait3A_16 = tpu.memref_slice %arg6[%arg0, %mul3A_11, %dma_wait3A] : memref<2x10112x144xf32, #tpu.memory_space<hbm>> -> memref<1x632x144xf32, #tpu.memory_space<hbm>>
      %dma_wait3A_17 = tpu.memref_squeeze %dma_wait3A_16 : memref<1x632x144xf32, #tpu.memory_space<hbm>> -> memref<632x144xf32, #tpu.memory_space<hbm>>
      %dma_wait3A_18 = arith.constant 0 : i32
      %dma_wait3A_19 = tpu.memref_slice %arg11[%mul3A_9, %dma_wait3A_18] : memref<10112x144xf32, #tpu.memory_space<vmem_shared>> -> memref<632x144xf32, #tpu.memory_space<vmem_shared>>
      tpu.wait_dma2 semaphore(%run_scoped3A : memref<!tpu.dma_semaphore, #tpu.memory_space<semaphore_mem>>) src(%dma_wait3A_19 : memref<632x144xf32, #tpu.memory_space<vmem_shared>>) dst(%dma_wait3A_17 : memref<632x144xf32, #tpu.memory_space<hbm>>)
      tpu.yield
    }) : () -> ()
    return
  }
}

module attributes {stable_mosaic.version = 14 : i64} {
  func.func @_tc_body(%arg0: i32, %arg1: memref<400x256xf32, #tpu.memory_space<vmem>>, %arg2: memref<400x256xf32, #tpu.memory_space<vmem>>, %arg3: memref<400x1xf32, #tpu.memory_space<vmem>>, %arg4: memref<256x256xf32, #tpu.memory_space<vmem>>, %arg5: memref<256x256xf32, #tpu.memory_space<vmem>>, %arg6: memref<1x256xf32, #tpu.memory_space<vmem>>, %arg7: memref<1x256xf32, #tpu.memory_space<vmem>>, %arg8: memref<400x256xf32, #tpu.memory_space<vmem>>) attributes {dimension_semantics = [#tpu.dimension_semantics<arbitrary>], iteration_bounds = array<i64: 25>, scalar_prefetch = 0 : i64, scratch_operands = 0 : i64, tpu.core_type = #tpu.core_type<tc>, window_params = [{transform_indices = @transform_0, window_bounds = array<i64: 400, 256>}, {transform_indices = @transform_1, window_bounds = array<i64: 400, 256>}, {transform_indices = @transform_2, window_bounds = array<i64: 400, 1>}, {pipeline_mode = #tpu.pipeline_mode<synchronous>, transform_indices = @transform_3, window_bounds = array<i64: 256, 256>}, {pipeline_mode = #tpu.pipeline_mode<synchronous>, transform_indices = @transform_4, window_bounds = array<i64: 256, 256>}, {pipeline_mode = #tpu.pipeline_mode<synchronous>, transform_indices = @transform_5, window_bounds = array<i64: 1, 256>}, {pipeline_mode = #tpu.pipeline_mode<synchronous>, transform_indices = @transform_6, window_bounds = array<i64: 1, 256>}, {transform_indices = @transform_7, window_bounds = array<i64: 400, 256>}]} {
    %get3A = arith.constant 0 : index
    %get3A_0 = arith.constant 0 : index
    %get3A_1 = vector.load %arg3[%get3A, %get3A_0] : memref<400x1xf32, #tpu.memory_space<vmem>>, vector<400x1xf32>
    %max3A = arith.constant 1.000000e+00 : f32
    %max3A_2 = vector.broadcast %max3A : f32 to vector<400x1xf32>
    %max3A_3 = arith.maximumf %get3A_1, %max3A_2 : vector<400x1xf32>
    %div3A = arith.constant 1.000000e+00 : f32
    %div3A_4 = vector.broadcast %div3A : f32 to vector<400x1xf32>
    %div3A_5 = arith.divf %div3A_4, %max3A_3 : vector<400x1xf32>
    %get3A_6 = arith.constant 0 : index
    %get3A_7 = arith.constant 0 : index
    %get3A_8 = vector.load %arg2[%get3A_6, %get3A_7] : memref<400x256xf32, #tpu.memory_space<vmem>>, vector<400x256xf32>
    %mul3A = vector.broadcast %div3A_5 : vector<400x1xf32> to vector<400x256xf32>
    %mul3A_9 = arith.mulf %get3A_8, %mul3A : vector<400x256xf32>
    %get3A_10 = arith.constant 0 : index
    %get3A_11 = arith.constant 0 : index
    %get3A_12 = vector.load %arg1[%get3A_10, %get3A_11] : memref<400x256xf32, #tpu.memory_space<vmem>>, vector<400x256xf32>
    %get3A_13 = arith.constant 0 : index
    %get3A_14 = arith.constant 0 : index
    %get3A_15 = vector.load %arg4[%get3A_13, %get3A_14] : memref<256x256xf32, #tpu.memory_space<vmem>>, vector<256x256xf32>
    %dot_general3A = arith.constant dense<0.000000e+00> : vector<400x256xf32>
    %dot_general3A_16 = tpu.matmul %get3A_12, %get3A_15, %dot_general3A {dimension_numbers = #tpu.dot_dimension_numbers<[1], [0], [0], [1], [0, 0, 1, 1], [], []>, transpose_lhs_hint = false} : vector<400x256xf32>, vector<256x256xf32>, vector<400x256xf32> -> vector<400x256xf32>
    %get3A_17 = arith.constant 0 : index
    %get3A_18 = arith.constant 0 : index
    %get3A_19 = vector.load %arg5[%get3A_17, %get3A_18] : memref<256x256xf32, #tpu.memory_space<vmem>>, vector<256x256xf32>
    %dot_general3A_20 = arith.constant dense<0.000000e+00> : vector<400x256xf32>
    %dot_general3A_21 = tpu.matmul %mul3A_9, %get3A_19, %dot_general3A_20 {dimension_numbers = #tpu.dot_dimension_numbers<[1], [0], [0], [1], [0, 0, 1, 1], [], []>, transpose_lhs_hint = false} : vector<400x256xf32>, vector<256x256xf32>, vector<400x256xf32> -> vector<400x256xf32>
    %add3A = arith.addf %dot_general3A_16, %dot_general3A_21 : vector<400x256xf32>
    %get3A_22 = arith.constant 0 : index
    %get3A_23 = arith.constant 0 : index
    %get3A_24 = vector.load %arg6[%get3A_22, %get3A_23] : memref<1x256xf32, #tpu.memory_space<vmem>>, vector<1x256xf32>
    %add3A_25 = vector.broadcast %get3A_24 : vector<1x256xf32> to vector<400x256xf32>
    %add3A_26 = arith.addf %add3A, %add3A_25 : vector<400x256xf32>
    %gt3A = arith.constant 0.000000e+00 : f32
    %gt3A_27 = vector.broadcast %gt3A : f32 to vector<400x1xf32>
    %gt3A_28 = arith.cmpf ogt, %get3A_1, %gt3A_27 : vector<400x1xf32>
    %jit3A = arith.constant 1.000000e+00 : f32
    %jit3A_29 = arith.constant 0.000000e+00 : f32
    %broadcast_in_dim3A = vector.broadcast %jit3A : f32 to vector<400x1xf32>
    %broadcast_in_dim3A_30 = vector.broadcast %jit3A_29 : f32 to vector<400x1xf32>
    %select_n3A = arith.select %gt3A_28, %broadcast_in_dim3A, %broadcast_in_dim3A_30 : vector<400x1xi1>, vector<400x1xf32>
    %get3A_31 = arith.constant 0 : index
    %get3A_32 = arith.constant 0 : index
    %get3A_33 = vector.load %arg7[%get3A_31, %get3A_32] : memref<1x256xf32, #tpu.memory_space<vmem>>, vector<1x256xf32>
    %mul3A_34 = vector.broadcast %select_n3A : vector<400x1xf32> to vector<400x256xf32>
    %mul3A_35 = vector.broadcast %get3A_33 : vector<1x256xf32> to vector<400x256xf32>
    %mul3A_36 = arith.mulf %mul3A_34, %mul3A_35 : vector<400x256xf32>
    %add3A_37 = arith.addf %add3A_26, %mul3A_36 : vector<400x256xf32>
    %swap3A = arith.constant 0 : index
    %swap3A_38 = arith.constant 0 : index
    %swap3A_39 = vector.load %arg8[%swap3A, %swap3A_38] : memref<400x256xf32, #tpu.memory_space<vmem>>, vector<400x256xf32>
    tpu.vector_store %arg8[%swap3A, %swap3A_38], %add3A_37 {strides = array<i32>} : memref<400x256xf32, #tpu.memory_space<vmem>>, vector<400x256xf32>,
    return
  }
  func.func @transform_0(%arg0: i32) -> (i32, i32) {
    %c0_i32 = arith.constant 0 : i32
    %c0_i32_0 = arith.constant 0 : i32
    return %arg0, %c0_i32 : i32, i32
  }
  func.func @transform_1(%arg0: i32) -> (i32, i32) {
    %c0_i32 = arith.constant 0 : i32
    %c0_i32_0 = arith.constant 0 : i32
    return %arg0, %c0_i32 : i32, i32
  }
  func.func @transform_2(%arg0: i32) -> (i32, i32) {
    %c0_i32 = arith.constant 0 : i32
    %c0_i32_0 = arith.constant 0 : i32
    return %arg0, %c0_i32 : i32, i32
  }
  func.func @transform_3(%arg0: i32) -> (i32, i32) {
    %c0_i32 = arith.constant 0 : i32
    %c0_i32_0 = arith.constant 0 : i32
    %c0_i32_1 = arith.constant 0 : i32
    return %c0_i32, %c0_i32_0 : i32, i32
  }
  func.func @transform_4(%arg0: i32) -> (i32, i32) {
    %c0_i32 = arith.constant 0 : i32
    %c0_i32_0 = arith.constant 0 : i32
    %c0_i32_1 = arith.constant 0 : i32
    return %c0_i32, %c0_i32_0 : i32, i32
  }
  func.func @transform_5(%arg0: i32) -> (i32, i32) {
    %c0_i32 = arith.constant 0 : i32
    %c0_i32_0 = arith.constant 0 : i32
    %c0_i32_1 = arith.constant 0 : i32
    return %c0_i32, %c0_i32_0 : i32, i32
  }
  func.func @transform_6(%arg0: i32) -> (i32, i32) {
    %c0_i32 = arith.constant 0 : i32
    %c0_i32_0 = arith.constant 0 : i32
    %c0_i32_1 = arith.constant 0 : i32
    return %c0_i32, %c0_i32_0 : i32, i32
  }
  func.func @transform_7(%arg0: i32) -> (i32, i32) {
    %c0_i32 = arith.constant 0 : i32
    %c0_i32_0 = arith.constant 0 : i32
    return %arg0, %c0_i32 : i32, i32
  }
}

</mosaic_0001>

<sc_bundles>
// kernel: kernel.4.cloned.1.call-start
scs
__scs_entry_jumppad:
0x0: {  	(pc) =	sbr.rel $0x88, $3  }
0x1: {  	(tag) =	ssettag $0x0;
	lr =	simm.s32 $0x1  }
0x2: {  	[smem:$0x3F9B] =	sst lr;
	_ =	strace $0xD0000000  }
0x3: {  	_ = 	snop  }
0x4: {  	_ = 	snop  }
0x5: {  	_ = 	snop  }
0x6: {  	_ = 	snop  }
0x7: {  	_ = 	snop  }
__scs_overlays_trampoline_lowered:
0x8: {  	[smem:$0x3FAA] =	sst s0  }
0x9: {  	[smem:$0x3FAB] =	sst s1  }
0xa: {  	[smem:$0x3FAC] =	sst s2  }
0xb: {  	[smem:$0x3FAD] =	sst s3  }
0xc: {  	[smem:$0x3FAE] =	sst s4  }
0xd: {  	[smem:$0x3FAF] =	sst s5  }
0xe: {  	[smem:$0x3FB0] =	sst s6  }
0xf: {  	[smem:$0x3FB1] =	sst s7  }
0x10: {  	[smem:$0x3FB2] =	sst s8  }
0x11: {  	[smem:$0x3FB3] =	sst s9;
	s0 =	simm.s32 @!p0 $0x0  }
0x12: {  	s1 =	sld [smem:$0x3F99];
	s0 =	simm.s32 @p0 $0x1  }
0x13: {  	[smem:$0x3FB4] =	sst s0;
	s0 =	simm.s32 @!p1 $0x0  }
0x14: {  	s2 =	sld [smem:$0x3F98];
	s0 =	simm.s32 @p1 $0x1  }
0x15: {  	[smem:$0x3FB5] =	sst s0;
	s0 =	simm.s32 @!p2 $0x0  }
0x16: {  	s3 =	sld [smem:$0x3FDB];
	s0 =	simm.s32 @p2 $0x1  }
0x17: {  	s4 =	simm.s32 $0x1BF5;
	[smem:$0x3FB7] =	sst s0  }
0x18: {  	s0 =	sld [smem:$0x3F9A];
	_ =	swait.ge [sflag:s4], $0x0  }
0x19: {  	s7 =	sld [smem:$0x3F9B]  }
0x1a: {  	s8 =	sadd.s32 $0xFFFFE003, lr  }
0x1b: {  	s9 =	sadd.s32 $0xFFFFFEF7, lr;
	s5 =	simm.s32 $0xFFFFFFFF;
	p2 =	slt.u32 s8, $0xFFFFF086  }
0x1c: {  	p1 =	slt.u32 s9, $0xF7A;
	s5 =	simm.s32 @!p2 $0x0  }
0x1d: {  	s5 =	simm.s32 @p1 $0x1;
	p0 =	seq.s32 s7, s2  }
0x1e: {  	s7 =	smul.u32 @!p0 $0xF7A, s2;
	p2 =	seq.s32 @!p0 s5, $0x0  }
0x1f: {  	s9 =	smul.u32 $0xF7A, s1;
	s8 =	simm.s32 @!p0 $0x1BF5;
	p2 =	por !p2, p0  }
0x20: {  	[sflag:s8] =	ssyncset.s32 @!p0 $0xFFFFF086;
	s6 =	sadd.s32 @!p0 s3, s7;
	s7 =	simm.s32 @!p0 $0x108  }
0x21: {  	s3 =	sadd.s32 s3, s9;
	s6 =	sadd.s32 @!p0 $0x88, s6;
	s7 =	simm.s32 @p2 $0x1082  }
0x22: {  	[simem:s7], [sflag:s8] =	dma.local @!p0 [hbm:s6], $0xF7A  }
0x23: {  	s9 =	sor.u32 $0xD0000000, s2;
	s6 =	simm.s32 $0x108;
	_ =	swait.ge @!p0 [sflag:s8], $0x0  }
0x24: {  	s3 =	sadd.s32 $0x88, s3;
	s6 =	simm.s32 @!p1 $0x1082;
	[sflag:s4] =	ssyncset.s32 $0xFFFFF086  }
0x25: {  	[simem:s6], [sflag:s4] =	dma.local [hbm:s3], $0xF7A  }
0x26: {  	[smem:$0x3F9B] =	sst s1;
	(tag) =	ssettag s2;
	_ =	strace s9  }
0x27: {  	s1 =	sld [smem:$0x3FAB]  }
0x28: {  	s2 =	sld [smem:$0x3FAC]  }
0x29: {  	s4 =	sld [smem:$0x3FAE]  }
0x2a: {  	p0 =	seq.s32 s5, $0x0;
	s5 =	sld [smem:$0x3FAF]  }
0x2b: {  	s6 =	sld [smem:$0x3FB0]  }
0x2c: {  	s7 =	sld [smem:$0x3FB1]  }
0x2d: {  	s3 =	simm.s32 $0x108;
	s8 =	sld [smem:$0x3FB2]  }
0x2e: {  	s3 =	simm.s32 @!p0 $0x1082;
	s9 =	sld [smem:$0x3FB3]  }
0x2f: {  	lr =	sadd.s32 s0, s3;
	s0 =	sld [smem:$0x3FAA]  }
0x30: {  	s3 =	sld [smem:$0x3FAD]  }
0x31: {  	[smem:$0x3FB6] =	sst s10  }
0x32: {  	s10 =	sld [smem:$0x3FB4];
	_ =	sdelay $0x3  }
0x33: {  	p0 =	seq.s32 s10, $0x1;
	s10 =	sld [smem:$0x3FB6];
	_ =	sdelay $0x3  }
0x34: {  	[smem:$0x3FB6] =	sst s10  }
0x35: {  	s10 =	sld [smem:$0x3FB5];
	_ =	sdelay $0x3  }
0x36: {  	p1 =	seq.s32 s10, $0x1;
	s10 =	sld [smem:$0x3FB6];
	_ =	sdelay $0x3  }
0x37: {  	[smem:$0x3FB6] =	sst s10  }
0x38: {  	s10 =	sld [smem:$0x3FB7]  }
0x39: {  	_ = 	snop;
	(pc) =	sbr.ind lr, $3  }
0x3a: {  	_ = 	snop  }
0x3b: {  	_ = 	snop  }
0x3c: {  	p2 =	seq.s32 s10, $0x1;
	s10 =	sld [smem:$0x3FB6]  }
0x3d: {  	_ =	shalt  }
0x3e: {  	_ =	shalt  }
0x3f: {  	_ =	shalt  }
0x40: {  	_ =	shalt  }
0x41: {  	_ =	shalt  }
0x42: {  	_ =	shalt  }
0x43: {  	_ =	shalt  }
0x44: {  	_ =	shalt  }
0x45: {  	_ =	shalt  }
0x46: {  	_ =	shalt  }
0x47: {  	_ =	shalt  }
0x48: {  	_ =	shalt  }
0x49: {  	_ =	shalt  }
0x4a: {  	_ =	shalt  }
0x4b: {  	_ =	shalt  }
0x4c: {  	_ =	shalt  }
0x4d: {  	_ =	shalt  }
0x4e: {  	_ =	shalt  }
0x4f: {  	_ =	shalt  }
0x50: {  	_ =	shalt  }
0x51: {  	_ =	shalt  }
0x52: {  	_ =	shalt  }
0x53: {  	_ =	shalt  }
0x54: {  	_ =	shalt  }
0x55: {  	_ =	shalt  }
0x56: {  	_ =	shalt  }
0x57: {  	_ =	shalt  }
0x58: {  	_ =	shalt  }
0x59: {  	_ =	shalt  }
0x5a: {  	_ =	shalt  }
0x5b: {  	_ =	shalt  }
0x5c: {  	_ =	shalt  }
0x5d: {  	_ =	shalt  }
0x5e: {  	_ =	shalt  }
0x5f: {  	_ =	shalt  }
0x60: {  	_ =	shalt  }
0x61: {  	_ =	shalt  }
0x62: {  	_ =	shalt  }
0x63: {  	_ =	shalt  }
0x64: {  	_ =	shalt  }
0x65: {  	_ =	shalt  }
0x66: {  	_ =	shalt  }
0x67: {  	_ =	shalt  }
0x68: {  	_ =	shalt  }
0x69: {  	_ =	shalt  }
0x6a: {  	_ =	shalt  }
0x6b: {  	_ =	shalt  }
0x6c: {  	_ =	shalt  }
0x6d: {  	_ =	shalt  }
0x6e: {  	_ =	shalt  }
0x6f: {  	_ =	shalt  }
0x70: {  	_ =	shalt  }
0x71: {  	_ =	shalt  }
0x72: {  	_ =	shalt  }
0x73: {  	_ =	shalt  }
0x74: {  	_ =	shalt  }
0x75: {  	_ =	shalt  }
0x76: {  	_ =	shalt  }
0x77: {  	_ =	shalt  }
0x78: {  	_ =	shalt  }
0x79: {  	_ =	shalt  }
0x7a: {  	_ =	shalt  }
0x7b: {  	_ =	shalt  }
0x7c: {  	_ =	shalt  }
0x7d: {  	_ =	shalt  }
0x7e: {  	_ =	shalt  }
0x7f: {  	_ =	shalt  }
0x80: {  	_ =	shalt  }
0x81: {  	_ =	shalt  }
0x82: {  	_ =	shalt  }
0x83: {  	_ =	shalt  }
0x84: {  	_ =	shalt  }
0x85: {  	_ =	shalt  }
0x86: {  	_ =	shalt  }
0x87: {  	_ =	shalt  }
.Lfunc_end0:
.L_simem_size_0:
called_computation_lowered:
.L_overlay_start_0:
0x88: {  	s2 =	sld [smem:$0x3FD9]  }
0x89: {  	s3 =	sld [smem:$0x3FFE];
	_ =	sdelay $0x1  }
0x8a: {  	s1 =	srdreg.scid  }
0x8b: {  	s0 =	sand.u32 $0x1, s1  }
0x8c: {  	s17 =	sshll.u32 s0, $0xA;
	s2 =	sadd.s32 s3, s2  }
0x8d: {  	s2 =	sadd.s32 s2, s17  }
0x8e: {  	[smem:$0x3FC2] =	sst s2  }
0x8f: {  	_ = 	snop  }
0x90: {  	s2 =	sld [smem:$0x3FD0];
	(tm) =	ssettm $0x1  }
0x91: {  	s18 =	sld [smem:$0x3FFB];
	_ =	sdelay $0x3  }
0x92: {  	_ =	strace s18  }
0x93: {  	s3 =	sld [smem:$0x3FFC];
	_ =	sdelay $0x3  }
0x94: {  	_ =	strace s3  }
0x95: {  	s3 =	sld [smem:$0x3FFD];
	_ =	sdelay $0x3  }
0x96: {  	_ =	strace s3  }
0x97: {  	_ =	strace $0x8FFFFFFF  }
0x98: {  	s19 =	sld [smem:$0x3FDB];
	_ =	sdelay $0x1  }
0x99: {  	s4 =	simm.s32 $_scs_section_size  }
0x9a: {  	s5 =	simm.s32 $_size__tile_overlayer_lowered;
	s6 =	simm.s32 $_tile_overlayer_lowered  }
0x9b: {  	s22 =	simm.s32 $0x1BFF;
	s21 =	sshll.u32 s6, $0x1;
	s3 =	sadd.s32 s4, s19  }
0x9c: {  	s7 =	simm.s32 $0x0;
	s20 =	sshll.u32 s5, $0x1;
	s5 =	sadd.s32 s21, s3  }
0x9d: {  	[timem:s7], [sflag:s22] =	dma.local [hbm:s5], s20  }
0x9e: {  	_ =	swait.ge [sflag:s22], s20  }
0x9f: {  	s4 =	ssub.s32 $0x0, s20;
	[sflag:s22] =	ssyncset.done $0x0  }
0xa0: {  	[sflag:s22] =	ssyncadd.s32 s4;
	_ =	sdelay $0x1  }
0xa1: {  	s23 =	simm.s32 $0x1B8B  }
0xa2: {  	_ =	swait.ge [sflag:s23], $0x1  }
0xa3: {  	[sflag:s23] =	ssyncset.done $0x0  }
0xa4: {  	s25 =	simm.s32 $0x1B8E;
	s24 =	sld [smem:$0x3FFE];
	[sflag:s23] =	ssyncadd.s32 $0xFFFFFFFF  }
0xa5: {  	s26 =	simm.s32 $execute0_lowered;
	[smem:$0x3FD2] =	sst s25  }
0xa6: {  	s5 =	sshll.u32 s26, $0x1;
	_ =	strace $0x80000046;
	[dreg:$0x1] =	wrdreg $0xFFFFFFFF  }
0xa7: {  	s28 =	simm.s32 $_size_execute0_lowered;
	s3 =	sadd.s32 s3, s5;
	[dreg:$0x0] =	wrdreg $0x0  }
0xa8: {  	s5 =	sshll.u32 s28, $0x1;
	[dreg:$0x2] =	wrdreg s3  }
0xa9: {  	[dreg:$0x3] =	wrdreg s5  }
0xaa: {  	[dreg:$0x4] =	wrdreg $0xC0  }
0xab: {  	_ =	task [dreg:s7], $0x5FFFF  }
0xac: {  	[dreg:$0x1] =	wrdreg $0xFFFFFFFF  }
0xad: {  	[dreg:$0x0] =	wrdreg $0x60  }
0xae: {  	[dreg:$0x2] =	wrdreg s24  }
0xaf: {  	[dreg:$0x3] =	wrdreg s2  }
0xb0: {  	[dreg:$0x4] =	wrdreg $0x94000  }
0xb1: {  	[dreg:$0x5] =	wrdreg $0x9  }
0xb2: {  	_ =	task.clear_ibuf [dreg:s7], $0x6FFFF;
	_ =	strace $0x90000046  }
0xb3: {  	s29 =	simm.s32 $0x9;
	_ =	strace $0x80000048  }
0xb4: {  	_ =	swait.ge [sflag:s29], $0x1  }
0xb5: {  	[sflag:s29] =	ssyncadd.s32 $0xFFFFFFFF  }
0xb6: {  	_ =	strace $0x90000048  }
0xb7: {  	_ =	sfence  }
0xb8: {  	s30 =	sld [smem:$0x0];
	_ =	sdelay $0x2  }
0xb9: {  	s31 =	sshll.u32 s1, $0xD;
	s1 =	sshrl.u32 s1, $0x2  }
0xba: {  	s3 =	sand.u32 $0x4000, s31;
	s1 =	sadd.s32 s1, s30  }
0xbb: {  	s0 =	sor.u32 s3, s0;
	s1 =	sshll.u32 s1, $0x11  }
0xbc: {  	s0 =	sor.u32 s1, s0  }
0xbd: {  	s0 =	sadd.s32 $0x8F2B, s0  }
0xbe: {  	[sflag:s0] =	ssyncadd.remote.s32 $0x1  }
0xbf: {  	_ =	sfence.sel $0xFFFF  }
0xc0: {  	[dreg:$0x0] =	wrdreg $0xFFFFFFFF;
	(pc) =	sbr.abs _section_cstart, $3  }
0xc1: {  	[dreg:$0x1] =	wrdreg $0xFFFFFFFF  }
0xc2: {  	_ =	task.clear_ibuf [dreg:s7], $0x2FFFF;
	_ =	strace $0x9FFFFFFF  }
0xc3: {  	(tm) =	ssettm $0x7FFFFFFF  }
tec
execute0_lowered:
.L_overlay_start_1:
0x0: {  	(tag) =	ssettag $0x1  }
0x1: {  	s5 =	rddreg [dreg:$0x0]  }
0x2: {  	s10 =	rddreg [dreg:$0x1]  }
0x3: {  	s0 =	srdreg.scid;
	s2 =	rddreg [dreg:$0x2]  }
0x4: {  	s3 =	simm.s32 $0x0;
	s16 =	simm.s32 $0x4C00;
	s17 =	simm.s32 $0x1  }
0x5: {  	s18 =	simm.s32 $0x3;
	s19 =	simm.s32 $0x100;
	s20 =	simm.s32 $0x2  }
0x6: {  	s21 =	simm.s32 $0x280;
	s22 =	simm.s32 $0x4;
	s6 =	sand.u32 $0x1, s0  }
0x7: {  	s23 =	simm.s32 $0x180;
	s0 =	stileid.u32;
	s4 =	smul.u32 $0x2BF20, s6  }
0x8: {  	s24 =	simm.s32 $0x300;
	s25 =	simm.s32 $0x380;
	s11 =	smul.u32 $0x500, s0  }
0x9: {  	s26 =	simm.s32 $0x0;
	[smem:$0x7FF] =	sst s3;
	s7 =	smul.u32 $0x16380, s0  }
0xa: {  	s8 =	smul.u32 $0x163800, s6;
	_ =	strace $0x80000047;
	s6 =	ssub.s32 $0x2, s6  }
0xb: {  	s13 =	sshll.u32 s0, $0x6;
	s31 =	sshrl.u32 s6, $0x1;
	s9 =	sadd.s32 s4, s5  }
0xc: {  	s12 =	sadd.s32 s11, s5;
	s8 =	sadd.s32 s7, s8;
	s4 =	sadd.s32 $0x5EA00, s5  }
0xd: {  	s14 =	ssub.s32 s6, s31;
	s15 =	sadd.s32 s7, s2;
	s10 =	sadd.s32 s11, s10  }
0xe: {  	s8 =	sshrl.u32 s8, $0x3;
	s6 =	sadd.s32 $0x1A00, s9;
	s9 =	sadd.s32 $0x59A00, s12  }
0xf: {  	s11 =	sshrl.u32 s15, $0x3;
	s12 =	simm.s32 $0x5;
	s15 =	simm.s32 $0x400  }
0x10: {  	s8 =	sadd.s32 s8, s5;
	s5 =	sor.u32 $0x1C05, s13;
	s13 =	simm.s32 $0x200  }
0x11: {  	s7 =	sadd.s32 $0x61800, s8;
	s8 =	smax.u32 s14, $0x1;
	s14 =	simm.s32 $0x80  }
.LBB2_1:
0x12: {  	[spmem:s11], [sflag:s5] =	dma.local [hbm:s4], $0x2C70  }
0x13: {  	_ =	swait.ge [sflag:s12], $0x2C70  }
0x14: {  	[sflag:s12] =	ssyncset.done $0x0  }
0x15: {  	[sflag:s12] =	ssyncadd.s32 $0xFFFFD390  }
0x16: {  	s28 =	sadd.s32 $0x0, s10;
	[bflag:$0x0] =	sbarrier.arrive $0xFFFF  }
0x17: {  	[tilespmem:s3], [sflag:$0x5] =	stream.linear.gather [hbm4b:s28+s3], $0x200, $0x38;
	[tilespmem:$0x1F780] =	vst v63  }
0x18: {  	_ =	swait.ge [sflag:s12], $0x200  }
0x19: {  	[sflag:s12] =	ssyncset.done $0x0  }
0x1a: {  	s28 =	sadd.s32 $0x0, s9;
	[sflag:s12] =	ssyncadd.s32 $0xFFFFFE00  }
0x1b: {  	[tilespmem:s13], [sflag:$0x5] =	stream.linear.gather [hbm4b:s28+s3], $0x200, $0x38;
	[tilespmem:$0x1F780] =	vst v63  }
0x1c: {  	_ =	swait.ge [sflag:s12], $0x200  }
0x1d: {  	[sflag:s12] =	ssyncset.done $0x0  }
0x1e: {  	[sflag:s12] =	ssyncadd.s32 $0xFFFFFE00  }
0x1f: {  	[tilespmem:s15], [sflag:$0x1] =	stream.indirect.gather [hbm4b:s6+s14], $0x90, s3, s14, $0xb8;
	[tilespmem:$0x1F780] =	vst v63  }
0x20: {  	_ = 	snop  }
0x21: {  	[tilespmem:s16], [sflag:$0x2] =	stream.indirect.gather [hbm4b:s6+s14], $0x90, s14, s14, $0xb8;
	[tilespmem:$0x1F780] =	vst v63  }
0x22: {  	_ =	swait.ge [sflag:s17], $0x4800  }
0x23: {  	[sflag:s17] =	ssyncset.done $0x0  }
0x24: {  	[sflag:s17] =	ssyncadd.s32 $0xFFFFB800  }
0x25: {  	[spmem:s2] =	stream.indirect.scatter.add.f32 [tilespmem:s15], [sflag:$0x3], $0x90, s13, s14, $0xb8;
	[tilespmem:$0x1F780] =	vst v63  }
0x26: {  	_ =	swait.ge [sflag:s18], $0x4800  }
0x27: {  	[sflag:s18] =	ssyncset.done $0x0  }
0x28: {  	[sflag:s18] =	ssyncadd.s32 $0xFFFFB800  }
0x29: {  	[tilespmem:s15], [sflag:$0x1] =	stream.indirect.gather [hbm4b:s6+s14], $0x90, s19, s14, $0xb8;
	[tilespmem:$0x1F780] =	vst v63  }
0x2a: {  	_ =	swait.ge [sflag:s20], $0x4800  }
0x2b: {  	[sflag:s20] =	ssyncset.done $0x0  }
0x2c: {  	[sflag:s20] =	ssyncadd.s32 $0xFFFFB800  }
0x2d: {  	[spmem:s2] =	stream.indirect.scatter.add.f32 [tilespmem:s16], [sflag:$0x4], $0x90, s21, s14, $0xb8;
	[tilespmem:$0x1F780] =	vst v63  }
0x2e: {  	_ =	swait.ge [sflag:s22], $0x4800  }
0x2f: {  	[sflag:s22] =	ssyncset.done $0x0  }
0x30: {  	[sflag:s22] =	ssyncadd.s32 $0xFFFFB800  }
0x31: {  	[tilespmem:s16], [sflag:$0x2] =	stream.indirect.gather [hbm4b:s6+s14], $0x90, s23, s14, $0xb8;
	[tilespmem:$0x1F780] =	vst v63  }
0x32: {  	_ =	swait.ge [sflag:s17], $0x4800  }
0x33: {  	[sflag:s17] =	ssyncset.done $0x0  }
0x34: {  	[sflag:s17] =	ssyncadd.s32 $0xFFFFB800  }
0x35: {  	[spmem:s2] =	stream.indirect.scatter.add.f32 [tilespmem:s15], [sflag:$0x3], $0x90, s24, s14, $0xb8;
	[tilespmem:$0x1F780] =	vst v63  }
0x36: {  	_ =	swait.ge [sflag:s20], $0x4800  }
0x37: {  	[sflag:s20] =	ssyncset.done $0x0  }
0x38: {  	[sflag:s20] =	ssyncadd.s32 $0xFFFFB800  }
0x39: {  	[spmem:s2] =	stream.indirect.scatter.add.f32 [tilespmem:s16], [sflag:$0x4], $0x90, s25, s14, $0xb8;
	[tilespmem:$0x1F780] =	vst v63  }
0x3a: {  	_ =	swait.ge [sflag:s18], $0x4800  }
0x3b: {  	[sflag:s18] =	ssyncset.done $0x0  }
0x3c: {  	[sflag:s18] =	ssyncadd.s32 $0xFFFFB800  }
0x3d: {  	_ =	swait.ge [sflag:s22], $0x4800  }
0x3e: {  	s30 =	simm.s32 $0x80;
	s28 =	simm.s32 $0x40;
	[sflag:s22] =	ssyncset.done $0x0  }
.LBB2_2:
0x3f: {  	s31 =	sadd.s32 s28, s10  }
0x40: {  	[sflag:s22] =	ssyncadd.s32 $0xFFFFB800;
	s1 =	smov.u32 s30;
	s29 =	sadd.s32 $0x40, s30  }
0x41: {  	[tilespmem:s3], [sflag:$0x5] =	stream.linear.gather [hbm4b:s31+s3], $0x200, $0x38;
	[tilespmem:$0x1F780] =	vst v63  }
0x42: {  	p0 =	sne.s32 s30, $0x4C0;
	_ =	swait.ge [sflag:s12], $0x200  }
0x43: {  	[sflag:s12] =	ssyncset.done $0x0  }
0x44: {  	s30 =	sadd.s32 s28, s9;
	s28 =	smov.u32 s1;
	[sflag:s12] =	ssyncadd.s32 $0xFFFFFE00  }
0x45: {  	[tilespmem:s13], [sflag:$0x5] =	stream.linear.gather [hbm4b:s30+s3], $0x200, $0x38;
	[tilespmem:$0x1F780] =	vst v63  }
0x46: {  	_ =	swait.ge [sflag:s12], $0x200  }
0x47: {  	[sflag:s12] =	ssyncset.done $0x0  }
0x48: {  	[sflag:s12] =	ssyncadd.s32 $0xFFFFFE00  }
0x49: {  	[tilespmem:s15], [sflag:$0x1] =	stream.indirect.gather [hbm4b:s6+s14], $0x90, s3, s14, $0xb8;
	[tilespmem:$0x1F780] =	vst v63  }
0x4a: {  	_ = 	snop  }
0x4b: {  	[tilespmem:s16], [sflag:$0x2] =	stream.indirect.gather [hbm4b:s6+s14], $0x90, s14, s14, $0xb8;
	[tilespmem:$0x1F780] =	vst v63  }
0x4c: {  	_ =	swait.ge [sflag:s17], $0x4800  }
0x4d: {  	[sflag:s17] =	ssyncset.done $0x0  }
0x4e: {  	[sflag:s17] =	ssyncadd.s32 $0xFFFFB800  }
0x4f: {  	[spmem:s2] =	stream.indirect.scatter.add.f32 [tilespmem:s15], [sflag:$0x3], $0x90, s13, s14, $0xb8;
	[tilespmem:$0x1F780] =	vst v63  }
0x50: {  	_ =	swait.ge [sflag:s18], $0x4800  }
0x51: {  	[sflag:s18] =	ssyncset.done $0x0  }
0x52: {  	[sflag:s18] =	ssyncadd.s32 $0xFFFFB800  }
0x53: {  	[tilespmem:s15], [sflag:$0x1] =	stream.indirect.gather [hbm4b:s6+s14], $0x90, s19, s14, $0xb8;
	[tilespmem:$0x1F780] =	vst v63  }
0x54: {  	_ =	swait.ge [sflag:s20], $0x4800  }
0x55: {  	[sflag:s20] =	ssyncset.done $0x0  }
0x56: {  	[sflag:s20] =	ssyncadd.s32 $0xFFFFB800  }
0x57: {  	[spmem:s2] =	stream.indirect.scatter.add.f32 [tilespmem:s16], [sflag:$0x4], $0x90, s21, s14, $0xb8;
	[tilespmem:$0x1F780] =	vst v63  }
0x58: {  	_ =	swait.ge [sflag:s22], $0x4800  }
0x59: {  	[sflag:s22] =	ssyncset.done $0x0  }
0x5a: {  	[sflag:s22] =	ssyncadd.s32 $0xFFFFB800  }
0x5b: {  	[tilespmem:s16], [sflag:$0x2] =	stream.indirect.gather [hbm4b:s6+s14], $0x90, s23, s14, $0xb8;
	[tilespmem:$0x1F780] =	vst v63  }
0x5c: {  	_ =	swait.ge [sflag:s17], $0x4800  }
0x5d: {  	[sflag:s17] =	ssyncset.done $0x0  }
0x5e: {  	[sflag:s17] =	ssyncadd.s32 $0xFFFFB800  }
0x5f: {  	[spmem:s2] =	stream.indirect.scatter.add.f32 [tilespmem:s15], [sflag:$0x3], $0x90, s24, s14, $0xb8;
	[tilespmem:$0x1F780] =	vst v63  }
0x60: {  	_ =	swait.ge [sflag:s20], $0x4800  }
0x61: {  	[sflag:s20] =	ssyncset.done $0x0  }
0x62: {  	[sflag:s20] =	ssyncadd.s32 $0xFFFFB800  }
0x63: {  	[spmem:s2] =	stream.indirect.scatter.add.f32 [tilespmem:s16], [sflag:$0x4], $0x90, s25, s14, $0xb8;
	[tilespmem:$0x1F780] =	vst v63  }
.Ltmp0:
0x64: {  	_ =	swait.ge [sflag:s18], $0x4800;
	(pc) =	sbr.rel @p0 .LBB2_2-.Ltmp0, $4  }
0x65: {  	[sflag:s18] =	ssyncset.done $0x0  }
0x66: {  	[sflag:s18] =	ssyncadd.s32 $0xFFFFB800  }
0x67: {  	_ =	swait.ge [sflag:s22], $0x4800  }
0x68: {  	s30 =	smov.u32 s29;
	[sflag:s22] =	ssyncset.done $0x0  }
0x69: {  	s1 =	sadd.s32 s28, s10;
	[sflag:s22] =	ssyncadd.s32 $0xFFFFB800  }
0x6a: {  	[tilespmem:s3], [sflag:$0x5] =	stream.linear.gather [hbm4b:s1+s3], $0x200, $0x38;
	[tilespmem:$0x1F780] =	vst v63  }
0x6b: {  	_ =	swait.ge [sflag:s12], $0x200  }
0x6c: {  	[sflag:s12] =	ssyncset.done $0x0  }
0x6d: {  	s31 =	sadd.s32 s28, s9;
	[sflag:s12] =	ssyncadd.s32 $0xFFFFFE00  }
0x6e: {  	[tilespmem:s13], [sflag:$0x5] =	stream.linear.gather [hbm4b:s31+s3], $0x200, $0x38;
	[tilespmem:$0x1F780] =	vst v63  }
0x6f: {  	_ =	swait.ge [sflag:s12], $0x200  }
0x70: {  	[sflag:s12] =	ssyncset.done $0x0  }
0x71: {  	[sflag:s12] =	ssyncadd.s32 $0xFFFFFE00  }
0x72: {  	[tilespmem:s15], [sflag:$0x1] =	stream.indirect.gather [hbm4b:s6+s14], $0x90, s3, s14, $0xb8;
	[tilespmem:$0x1F780] =	vst v63  }
0x73: {  	_ = 	snop  }
0x74: {  	[tilespmem:s16], [sflag:$0x2] =	stream.indirect.gather [hbm4b:s6+s14], $0x90, s14, s14, $0xb8;
	[tilespmem:$0x1F780] =	vst v63  }
0x75: {  	_ =	swait.ge [sflag:s17], $0x4800  }
0x76: {  	[sflag:s17] =	ssyncset.done $0x0  }
0x77: {  	[sflag:s17] =	ssyncadd.s32 $0xFFFFB800  }
0x78: {  	[spmem:s2] =	stream.indirect.scatter.add.f32 [tilespmem:s15], [sflag:$0x3], $0x90, s13, s14, $0xb8;
	[tilespmem:$0x1F780] =	vst v63  }
0x79: {  	_ =	swait.ge [sflag:s18], $0x4800  }
0x7a: {  	[sflag:s18] =	ssyncset.done $0x0  }
0x7b: {  	[sflag:s18] =	ssyncadd.s32 $0xFFFFB800  }
0x7c: {  	[tilespmem:s15], [sflag:$0x1] =	stream.indirect.gather [hbm4b:s6+s14], $0x90, s19, s14, $0xb8;
	[tilespmem:$0x1F780] =	vst v63  }
0x7d: {  	_ =	swait.ge [sflag:s20], $0x4800  }
0x7e: {  	[sflag:s20] =	ssyncset.done $0x0  }
0x7f: {  	[sflag:s20] =	ssyncadd.s32 $0xFFFFB800  }
0x80: {  	[spmem:s2] =	stream.indirect.scatter.add.f32 [tilespmem:s16], [sflag:$0x4], $0x90, s21, s14, $0xb8;
	[tilespmem:$0x1F780] =	vst v63  }
0x81: {  	_ =	swait.ge [sflag:s22], $0x4800  }
0x82: {  	[sflag:s22] =	ssyncset.done $0x0  }
0x83: {  	[sflag:s22] =	ssyncadd.s32 $0xFFFFB800  }
0x84: {  	[tilespmem:s16], [sflag:$0x2] =	stream.indirect.gather [hbm4b:s6+s14], $0x90, s23, s14, $0xb8;
	[tilespmem:$0x1F780] =	vst v63  }
0x85: {  	_ =	swait.ge [sflag:s17], $0x4800  }
0x86: {  	[sflag:s17] =	ssyncset.done $0x0  }
0x87: {  	[sflag:s17] =	ssyncadd.s32 $0xFFFFB800  }
0x88: {  	[spmem:s2] =	stream.indirect.scatter.add.f32 [tilespmem:s15], [sflag:$0x3], $0x90, s24, s14, $0xb8;
	[tilespmem:$0x1F780] =	vst v63  }
0x89: {  	_ =	swait.ge [sflag:s20], $0x4800  }
0x8a: {  	[sflag:s20] =	ssyncset.done $0x0  }
0x8b: {  	[sflag:s20] =	ssyncadd.s32 $0xFFFFB800  }
0x8c: {  	[spmem:s2] =	stream.indirect.scatter.add.f32 [tilespmem:s16], [sflag:$0x4], $0x90, s25, s14, $0xb8;
	[tilespmem:$0x1F780] =	vst v63  }
0x8d: {  	_ =	swait.ge [sflag:s18], $0x4800  }
0x8e: {  	[sflag:s18] =	ssyncset.done $0x0  }
0x8f: {  	[sflag:s18] =	ssyncadd.s32 $0xFFFFB800  }
0x90: {  	_ =	swait.ge [sflag:s22], $0x4800  }
0x91: {  	s26 =	sadd.s32 $0x1, s26;
	[sflag:s22] =	ssyncset.done $0x0  }
0x92: {  	p0 =	sne.s32 s26, s8;
	[sflag:s22] =	ssyncadd.s32 $0xFFFFB800  }
.Ltmp1:
0x93: {  	[bflag:$0x0] =	sbarrier.arrive $0xFFFF;
	(pc) =	sbr.rel @p0 .LBB2_1-.Ltmp1, $4  }
0x94: {  	[hbm:s7], [sflag:s5] =	dma.local [spmem:s11], $0x2C70  }
0x95: {  	_ =	swait.ge [sflag:s12], $0x2C70  }
0x96: {  	[sflag:s12] =	ssyncset.done $0x0  }
0x97: {  	[sflag:s12] =	ssyncadd.s32 $0xFFFFD390  }
0x98: {  	_ =	sfence.sel $0x180000  }
0x99: {  	[bflag:$0x0] =	sbarrier.arrive $0xFFFF  }
0x9a: {  	_ =	strace $0x90000047  }
0x9b: {  	[bflag:$0x2] =	sbarrier.arrive $0xFFFF  }
0x9c: {  	p0 =	sne.s32 s0, $0x0;
	s0 =	rddreg [dreg:$0x3]  }
0x9d: {  	s0 =	sadd.s32 @!p0 $0x100000, s0  }
0x9e: {  	[sflag:s0] =	ssyncadd.tile.s32 @!p0 $0x1;
	_ =	shalt  }
.Lfunc_end2:
_tile_overlayer_lowered:
.L_overlay_start_2:
0x9f: {  	(tag) =	ssettag $0x2  }
0xa0: {  	s0 =	rddreg [dreg:$0x0];
	s2 =	stileid.u32  }
0xa1: {  	s1 =	rddreg [dreg:$0x1];
	p0 =	sne.s32 s2, $0x0  }
0xa2: {  	s3 =	rddreg [dreg:$0x2];
	[bflag:$0x3] =	sbarrier.arrive $0xFFFF;
	s2 =	simm.s32 @!p0 $0x1C05  }
0xa3: {  	[timem:s3], [sflag:s2] =	dma.local @!p0 [hbm:s0], s1  }
0xa4: {  	s0 =	simm.s32 @!p0 $0x5  }
0xa5: {  	_ =	swait.ge @!p0 [sflag:s0], s1  }
0xa6: {  	s1 =	ssub.s32 @!p0 $0x0, s1;
	[sflag:s0] =	ssyncset.done @!p0 $0x0  }
0xa7: {  	[sflag:s0] =	ssyncadd.s32 @!p0 s1  }
0xa8: {  	[bflag:$0x3] =	sbarrier.arrive $0xFFFF  }
0xa9: {  	_ =	shalt  }

</sc_bundles>
